<compile_context>
chip_gen: v7x
topology: tpu7x:2x2x1
jax: 0.10.2.dev20260603
libtpu: 0.0.44.dev20260713+nightly
codegen_flags: <defaults>
</compile_context>

<pallas_src>
import functools

import jax
import jax.numpy as jnp
from jax import lax
from jax.experimental import pallas as pl
from jax.experimental.pallas import tpu as pltpu
from jax.experimental.pallas import tpu_sc as plsc

R_MAIN = 2560
R_STATS = 6400
K_SEG = 64


def _stats_body(feat_ref, sum_ref, sq_ref):
    @pl.when(pl.program_id(0) == 0)
    def _():
        sum_ref[...] = jnp.zeros_like(sum_ref)
        sq_ref[...] = jnp.zeros_like(sq_ref)

    rows = feat_ref[...]
    sum_ref[...] += jnp.sum(rows, axis=0, keepdims=True)
    sq_ref[...] += jnp.sum(rows * rows, axis=0, keepdims=True)


def _vmat_body(g_ref, wi_ref, bias_ref, v_ref):
    v_ref[...] = (
        jnp.dot(g_ref[...], wi_ref[...], preferred_element_type=jnp.float32)
        + bias_ref[...]
    )


def _main_body(R, K, B, feat_ref, sidv_ref, sids_ref, pw_ref, v_ref, wu_ref,
               we_ref, see_ref, spw_ref, den_ref, swp_ref, z_ref):
    @pl.when(pl.program_id(0) == 0)
    def _():
        see_ref[...] = jnp.zeros_like(see_ref)
        spw_ref[...] = jnp.zeros_like(spw_ref)
        den_ref[...] = jnp.zeros_like(den_ref)
        swp_ref[...] = jnp.zeros_like(swp_ref)

    rows = feat_ref[...]
    sid_col = sidv_ref[...]
    pwc = pw_ref[...]

    s_first = sids_ref[0, 0, 0]
    s_last = sids_ref[0, 0, R - 1]
    base = jnp.minimum(s_first, B - K)
    fast = (s_last - base) < K

    f32 = jnp.float32
    u_mm = jnp.dot(rows, wu_ref[...], preferred_element_type=f32)

    @pl.when(fast)
    def _fast():
        kk = lax.broadcasted_iota(jnp.int32, (1, K), 1)
        onehot = (sid_col - base == kk).astype(f32)
        vloc = v_ref[pl.ds(base, K), :]
        zz = u_mm + jnp.dot(onehot, vloc, preferred_element_type=f32)
        ee = jnp.exp(jnp.dot(jax.nn.sigmoid(zz), we_ref[...],
                             preferred_element_type=f32))
        dn = (((0,), (0,)), ((), ()))
        a_cat = jnp.concatenate([onehot * ee, onehot * pwc],
                                axis=1)
        ones = jnp.ones((R, 1), f32)
        p = lax.dot_general(a_cat, rows, dn,
                            preferred_element_type=f32)
        dens = lax.dot_general(a_cat, ones, dn,
                               preferred_element_type=f32)
        see_ref[pl.ds(base, K), :] += p[:K]
        spw_ref[pl.ds(base, K), :] += p[K:]
        den_ref[pl.ds(base, K), :] += dens[:K]
        swp_ref[pl.ds(base, K), :] += dens[K:]

    @pl.when(jnp.logical_not(fast))
    def _slow():
        def _run(r0):
            s = sids_ref[0, 0, r0]
            r1 = r0 + jnp.sum(jnp.where(sid_col == s, 1, 0)).astype(jnp.int32)
            return s, r1

        def _cond(r0):
            return r0 < R

        ii = lax.broadcasted_iota(jnp.int32, (R, 1), 0)
        z_ref[...] = u_mm

        def _body1(r0):
            s, r1 = _run(r0)
            m = jnp.where(jnp.logical_and(ii >= r0, ii < r1), 1.0, 0.0)
            z_ref[...] += m * v_ref[pl.ds(s, 1), :]
            return r1

        lax.while_loop(_cond, _body1, jnp.int32(0))

        ee = jnp.exp(jnp.dot(jax.nn.sigmoid(z_ref[...]), we_ref[...],
                             preferred_element_type=f32))

        def _body2(r0):
            s, r1 = _run(r0)
            m = jnp.where(jnp.logical_and(ii >= r0, ii < r1), 1.0, 0.0)
            wee = m * ee
            wpw = m * pwc
            see_ref[pl.ds(s, 1), :] += jnp.sum(wee * rows, axis=0,
                                               keepdims=True)
            spw_ref[pl.ds(s, 1), :] += jnp.sum(wpw * rows, axis=0,
                                               keepdims=True)
            den_ref[pl.ds(s, 1), :] += jnp.sum(wee, axis=0, keepdims=True)
            swp_ref[pl.ds(s, 1), :] += jnp.sum(wpw, axis=0, keepdims=True)
            return r1

        lax.while_loop(_cond, _body2, jnp.int32(0))


def _sc_gather(feat, idx32):
    B = idx32.shape[0]
    D = feat.shape[1]
    info = plsc.get_sparse_core_info()
    nw = info.num_cores * info.num_subcores
    bpw = B // nw
    mesh = plsc.VectorSubcoreMesh(core_axis_name="c", subcore_axis_name="s")

    @functools.partial(
        pl.kernel,
        mesh=mesh,
        out_type=jax.ShapeDtypeStruct((B, D), jnp.float32),
        scratch_types=[
            pltpu.VMEM((bpw,), jnp.int32),
            pltpu.VMEM((bpw, D), jnp.float32),
            pltpu.SemaphoreType.DMA,
        ],
    )
    def gather_k(table_hbm, idx_hbm, out_hbm, idx_v, rows_v, sem):
        wid = lax.axis_index("s") * info.num_cores + lax.axis_index("c")
        base = wid * bpw
        pltpu.sync_copy(idx_hbm.at[pl.ds(base, bpw)], idx_v)
        pltpu.async_copy(table_hbm.at[idx_v], rows_v, sem).wait()
        pltpu.sync_copy(rows_v, out_hbm.at[pl.ds(base, bpw)])

    return gather_k(feat, idx32)


def kernel(feat, segment_ids, last_nodes, position_weight, bn_weight, bn_bias,
           W_u, W_i, b_i, W_e):
    f32 = jnp.float32
    N, D = feat.shape
    H = W_u.shape[1]
    B = last_nodes.shape[0]

    sids = segment_ids.astype(jnp.int32).reshape(N, 1)
    sids3 = segment_ids.astype(jnp.int32).reshape(N // R_MAIN, 1, R_MAIN)
    pw = position_weight.astype(f32).reshape(N, 1)
    ln = last_nodes.astype(jnp.int32)

    colsum, colsq = pl.pallas_call(
        _stats_body,
        grid=(N // R_STATS,),
        in_specs=[pl.BlockSpec((R_STATS, D), lambda g: (g, 0))],
        out_specs=[pl.BlockSpec((1, D), lambda g: (0, 0)),
                   pl.BlockSpec((1, D), lambda g: (0, 0))],
        out_shape=[jax.ShapeDtypeStruct((1, D), f32),
                   jax.ShapeDtypeStruct((1, D), f32)],
    )(feat)

    mean = colsum / N
    var = colsq / N - mean * mean
    a = (bn_weight.reshape(1, D) / jnp.sqrt(var + 1e-5))
    c = bn_bias.reshape(1, D) - mean * a
    wu_p = a.reshape(D, 1) * W_u
    wi_p = a.reshape(D, 1) * W_i
    vconst = b_i.reshape(1, H) + c @ W_i + c @ W_u

    g_rows = _sc_gather(feat, ln)
    v = pl.pallas_call(
        _vmat_body,
        out_shape=jax.ShapeDtypeStruct((B, H), f32),
    )(g_rows, wi_p, vconst)

    S_ee, S_pw, den, spw = pl.pallas_call(
        functools.partial(_main_body, R_MAIN, K_SEG, B),
        grid=(N // R_MAIN,),
        in_specs=[
            pl.BlockSpec((R_MAIN, D), lambda g: (g, 0)),
            pl.BlockSpec((R_MAIN, 1), lambda g: (g, 0)),
            pl.BlockSpec((1, 1, R_MAIN), lambda g: (g, 0, 0),
                         memory_space=pltpu.SMEM),
            pl.BlockSpec((R_MAIN, 1), lambda g: (g, 0)),
            pl.BlockSpec((B, H), lambda g: (0, 0)),
            pl.BlockSpec((D, H), lambda g: (0, 0)),
            pl.BlockSpec((H, 1), lambda g: (0, 0)),
        ],
        out_specs=[
            pl.BlockSpec((B, D), lambda g: (0, 0)),
            pl.BlockSpec((B, D), lambda g: (0, 0)),
            pl.BlockSpec((B, 1), lambda g: (0, 0)),
            pl.BlockSpec((B, 1), lambda g: (0, 0)),
        ],
        out_shape=[jax.ShapeDtypeStruct((B, D), f32),
                   jax.ShapeDtypeStruct((B, D), f32),
                   jax.ShapeDtypeStruct((B, 1), f32),
                   jax.ShapeDtypeStruct((B, 1), f32)],
        scratch_shapes=[pltpu.VMEM((R_MAIN, H), f32)],
    )(feat, sids, sids3, pw, v, wu_p, W_e)

    den_safe = jnp.where(den > 0, den, 1.0)
    rst = jnp.where(den > 0, a * (S_ee / den_safe) + c, 0.0)
    pos = a * S_pw + c * spw
    return (rst.astype(f32), pos.astype(f32))

# --- scband reference (transcript-rebuilt; emitter-appended) ---
"""Pipeline reference for scband-attn-readout-without-intent-16655883174584 (READ-ONLY COPY).

The authoritative reference and input builder live on the scoring server;
editing this copy changes nothing except your own understanding.
"""

import jax, jax.numpy as jnp
import numpy as np

N = 320000
B = 4096
D = 128
H = 128

def setup_inputs(seed: int = 0) -> dict:
    key = jax.random.key(seed)
    ks = jax.random.split(key, 10)
    feat = jax.random.normal(ks[0], (N, D), dtype=jnp.float32)
    segment_ids = jnp.sort(jax.random.randint(ks[1], (N,), 0, B, dtype=jnp.int32)).astype(jnp.int64)
    last_nodes = jax.random.randint(ks[2], (B,), 0, N, dtype=jnp.int32).astype(jnp.int64)
    position_weight = jax.random.uniform(ks[3], (N,), dtype=jnp.float32)
    # learned parameters
    bn_weight = jnp.ones((D,), dtype=jnp.float32)
    bn_bias = jnp.zeros((D,), dtype=jnp.float32)
    s = 1.0 / np.sqrt(D)
    W_u = jax.random.uniform(ks[4], (D, H), minval=-s, maxval=s, dtype=jnp.float32)
    W_i = jax.random.uniform(ks[5], (D, H), minval=-s, maxval=s, dtype=jnp.float32)
    b_i = jax.random.uniform(ks[6], (H,), minval=-s, maxval=s, dtype=jnp.float32)
    sh = 1.0 / np.sqrt(H)
    W_e = jax.random.uniform(ks[7], (H, 1), minval=-sh, maxval=sh, dtype=jnp.float32)
    return {"feat": feat, "segment_ids": segment_ids, "last_nodes": last_nodes,
            "position_weight": position_weight, "bn_weight": bn_weight, "bn_bias": bn_bias,
            "W_u": W_u, "W_i": W_i, "b_i": b_i, "W_e": W_e}


def reference(feat, segment_ids, last_nodes, position_weight, bn_weight, bn_bias, W_u, W_i, b_i, W_e):
    # BatchNorm1d (training-mode batch statistics), feat_drop p=0 is identity
    mean = jnp.mean(feat, axis=0)
    var = jnp.var(feat, axis=0)
    feat = (feat - mean) / jnp.sqrt(var + 1e-5) * bn_weight + bn_bias
    # fc_u
    feat_u = feat @ W_u
    # fc_i on last nodes, then broadcast_nodes (gather per-segment value to each node)
    feat_last = feat[last_nodes] @ W_i + b_i
    feat_last_b = feat_last[segment_ids]
    # fc_e(sigmoid(...))
    e = jax.nn.sigmoid(feat_u + feat_last_b) @ W_e  # [N, 1]
    # segment softmax over nodes within each segment
    e_max = jax.ops.segment_max(e, segment_ids, num_segments=B)
    ee = jnp.exp(e - e_max[segment_ids])
    denom = jax.ops.segment_sum(ee, segment_ids, num_segments=B)
    alpha = ee / denom[segment_ids]
    feat_norm = feat * alpha
    rst = jax.ops.segment_sum(feat_norm, segment_ids, num_segments=B)
    # position-weighted readout
    pw = position_weight[:, None]
    feat_position = feat * pw
    position_rst = jax.ops.segment_sum(feat_position, segment_ids, num_segments=B).astype(jnp.float32)
    # fc_out is None (output_dim == input_dim), activation is None
    return (rst, position_rst)

if __name__ == "__main__":
    import jax
    _d = setup_inputs()
    print(jax.jit(kernel)(*tuple(_d.values())))

</pallas_src>

<mosaic_0001>
#map = affine_map<(d0, d1) -> (0, 0)>
#map1 = affine_map<(d0, d1) -> (0)>
module attributes {stable_mosaic.version = 14 : i64} {
  func.func @gather_k(%arg0: i32, %arg1: i32, %arg2: memref<320000x128xf32, #tpu.memory_space<hbm>>, %arg3: memref<4096xi32, #tpu.memory_space<hbm>>, %arg4: memref<4096x128xf32, #tpu.memory_space<hbm>>, %arg5: memref<128xi32, #tpu.memory_space<vmem>>, %arg6: memref<128x128xf32, #tpu.memory_space<vmem>>, %arg7: memref<!tpu.dma_semaphore, #tpu.memory_space<semaphore_mem>>) attributes {dimension_semantics = [#tpu.dimension_semantics<core_parallel>, #tpu.dimension_semantics<subcore_parallel>], iteration_bounds = array<i64: 2, 16>, scalar_prefetch = 0 : i64, scratch_operands = 3 : i64, tpu.core_type = #tpu.core_type<sc_vector_subcore>, window_params = [{transform_indices = #map}, {transform_indices = #map1}, {transform_indices = #map}]} {
    %mul3A = arith.constant 2 : i32
    %mul3A_0 = arith.muli %arg1, %mul3A : i32
    %add3A = arith.addi %mul3A_0, %arg0 : i32
    %mul3A_1 = arith.constant 128 : i32
    %mul3A_2 = arith.muli %add3A, %mul3A_1 : i32
    "tpu.region"() ({
      %run_scoped3A = tpu.sem_alloc : memref<!tpu.dma_semaphore, #tpu.memory_space<semaphore_mem>>
      %dma_start3A_7 = tpu.memref_slice %arg3[%mul3A_2] : memref<4096xi32, #tpu.memory_space<hbm>> -> memref<128xi32, #tpu.memory_space<hbm>>
      %dma_start3A_8 = tpu.memref_slice %arg3[%mul3A_2] : memref<4096xi32, #tpu.memory_space<hbm>> -> memref<128xi32, #tpu.memory_space<hbm>>
      tpu.enqueue_dma source(%dma_start3A_8 : memref<128xi32, #tpu.memory_space<hbm>>) target(%arg5 : memref<128xi32, #tpu.memory_space<vmem>>) target_semaphore(%run_scoped3A : memref<!tpu.dma_semaphore, #tpu.memory_space<semaphore_mem>>)
      %dma_wait3A_9 = tpu.memref_slice %arg3[%mul3A_2] : memref<4096xi32, #tpu.memory_space<hbm>> -> memref<128xi32, #tpu.memory_space<hbm>>
      %dma_wait3A_10 = tpu.memref_slice %arg3[%mul3A_2] : memref<4096xi32, #tpu.memory_space<hbm>> -> memref<128xi32, #tpu.memory_space<hbm>>
      tpu.wait_dma2 semaphore(%run_scoped3A : memref<!tpu.dma_semaphore, #tpu.memory_space<semaphore_mem>>) src(%dma_wait3A_10 : memref<128xi32, #tpu.memory_space<hbm>>) dst(%arg5 : memref<128xi32, #tpu.memory_space<vmem>>)
      tpu.yield
    }) : () -> ()
    %dma_start3A = arith.constant 0 : i32
    %dma_start3A_3 = arith.constant 0 : i32
    %dma_start3A_4 = tpu.memref_slice %arg2[%dma_start3A, %dma_start3A_3] : memref<320000x128xf32, #tpu.memory_space<hbm>> -> memref<320000x128xf32, #tpu.memory_space<hbm>>
    tpu.enqueue_indirect_dma source(%dma_start3A_4 : memref<320000x128xf32, #tpu.memory_space<hbm>>) target(%arg6 : memref<128x128xf32, #tpu.memory_space<vmem>>) offsets(%arg5 : memref<128xi32, #tpu.memory_space<vmem>>) semaphore(%arg7 : memref<!tpu.dma_semaphore, #tpu.memory_space<semaphore_mem>>)
    %dma_wait3A = arith.constant 0 : i32
    %dma_wait3A_5 = arith.constant 0 : i32
    %dma_wait3A_6 = tpu.memref_slice %arg2[%dma_wait3A, %dma_wait3A_5] : memref<320000x128xf32, #tpu.memory_space<hbm>> -> memref<320000x128xf32, #tpu.memory_space<hbm>>
    tpu.wait_indirect_dma semaphore(%arg7 : memref<!tpu.dma_semaphore, #tpu.memory_space<semaphore_mem>>) src(%dma_wait3A_6 : memref<320000x128xf32, #tpu.memory_space<hbm>>) dst(%arg6 : memref<128x128xf32, #tpu.memory_space<vmem>>)
    "tpu.region"() ({
      %run_scoped3A = tpu.sem_alloc : memref<!tpu.dma_semaphore, #tpu.memory_space<semaphore_mem>>
      %dma_start3A_7 = arith.constant 0 : i32
      %dma_start3A_8 = tpu.memref_slice %arg4[%mul3A_2, %dma_start3A_7] : memref<4096x128xf32, #tpu.memory_space<hbm>> -> memref<128x128xf32, #tpu.memory_space<hbm>>
      %dma_start3A_9 = arith.constant 0 : i32
      %dma_start3A_10 = tpu.memref_slice %arg4[%mul3A_2, %dma_start3A_9] : memref<4096x128xf32, #tpu.memory_space<hbm>> -> memref<128x128xf32, #tpu.memory_space<hbm>>
      tpu.enqueue_dma source(%arg6 : memref<128x128xf32, #tpu.memory_space<vmem>>) target(%dma_start3A_10 : memref<128x128xf32, #tpu.memory_space<hbm>>) target_semaphore(%run_scoped3A : memref<!tpu.dma_semaphore, #tpu.memory_space<semaphore_mem>>)
      %dma_wait3A_11 = arith.constant 0 : i32
      %dma_wait3A_12 = tpu.memref_slice %arg4[%mul3A_2, %dma_wait3A_11] : memref<4096x128xf32, #tpu.memory_space<hbm>> -> memref<128x128xf32, #tpu.memory_space<hbm>>
      %dma_wait3A_13 = arith.constant 0 : i32
      %dma_wait3A_14 = tpu.memref_slice %arg4[%mul3A_2, %dma_wait3A_13] : memref<4096x128xf32, #tpu.memory_space<hbm>> -> memref<128x128xf32, #tpu.memory_space<hbm>>
      tpu.wait_dma2 semaphore(%run_scoped3A : memref<!tpu.dma_semaphore, #tpu.memory_space<semaphore_mem>>) src(%arg6 : memref<128x128xf32, #tpu.memory_space<vmem>>) dst(%dma_wait3A_14 : memref<128x128xf32, #tpu.memory_space<hbm>>)
      tpu.yield
    }) : () -> ()
    return
  }
}

module attributes {stable_mosaic.version = 14 : i64} {
  func.func @_stats_body(%arg0: i32, %arg1: memref<6400x128xf32, #tpu.memory_space<vmem>>, %arg2: memref<1x128xf32, #tpu.memory_space<vmem>>, %arg3: memref<1x128xf32, #tpu.memory_space<vmem>>) attributes {dimension_semantics = [#tpu.dimension_semantics<arbitrary>], iteration_bounds = array<i64: 50>, scalar_prefetch = 0 : i64, scratch_operands = 0 : i64, tpu.core_type = #tpu.core_type<tc>, window_params = [{transform_indices = @transform_0, window_bounds = array<i64: 6400, 128>}, {pipeline_mode = #tpu.pipeline_mode<synchronous>, transform_indices = @transform_1, window_bounds = array<i64: 1, 128>}, {pipeline_mode = #tpu.pipeline_mode<synchronous>, transform_indices = @transform_2, window_bounds = array<i64: 1, 128>}]} {
    %eq3A = arith.constant 0 : i32
    %eq3A_0 = arith.cmpi eq, %arg0, %eq3A : i32
    %convert_element_type3A = arith.extui %eq3A_0 : i1 to i32
    %cond3A = arith.constant 0 : i32
    %cond3A_1 = arith.cmpi ne, %convert_element_type3A, %cond3A : i32
    scf.if %cond3A_1 {
      %broadcast_in_dim3A_20 = arith.constant 0.000000e+00 : f32
      %broadcast_in_dim3A_21 = vector.broadcast %broadcast_in_dim3A_20 : f32 to vector<1x128xf32>
      %swap3A_22 = arith.constant 0 : index
      %swap3A_23 = arith.constant 0 : index
      %swap3A_24 = vector.load %arg2[%swap3A_22, %swap3A_23] : memref<1x128xf32, #tpu.memory_space<vmem>>, vector<1x128xf32>
      tpu.vector_store %arg2[%swap3A_22, %swap3A_23], %broadcast_in_dim3A_21 {strides = array<i32>} : memref<1x128xf32, #tpu.memory_space<vmem>>, vector<1x128xf32>,
      %broadcast_in_dim3A_25 = arith.constant 0.000000e+00 : f32
      %broadcast_in_dim3A_26 = vector.broadcast %broadcast_in_dim3A_25 : f32 to vector<1x128xf32>
      %swap3A_27 = arith.constant 0 : index
      %swap3A_28 = arith.constant 0 : index
      %swap3A_29 = vector.load %arg3[%swap3A_27, %swap3A_28] : memref<1x128xf32, #tpu.memory_space<vmem>>, vector<1x128xf32>
      tpu.vector_store %arg3[%swap3A_27, %swap3A_28], %broadcast_in_dim3A_26 {strides = array<i32>} : memref<1x128xf32, #tpu.memory_space<vmem>>, vector<1x128xf32>,
    } else {
    }
    %get3A = arith.constant 0 : index
    %get3A_2 = arith.constant 0 : index
    %get3A_3 = vector.load %arg1[%get3A, %get3A_2] : memref<6400x128xf32, #tpu.memory_space<vmem>>, vector<6400x128xf32>
    %get3A_4 = arith.constant 0 : index
    %get3A_5 = arith.constant 0 : index
    %get3A_6 = vector.load %arg2[%get3A_4, %get3A_5] : memref<1x128xf32, #tpu.memory_space<vmem>>, vector<1x128xf32>
    %reduce_sum3A = arith.constant dense<0.000000e+00> : vector<128xf32>
    %reduce_sum3A_7 = vector.multi_reduction <add>, %get3A_3, %reduce_sum3A [0] : vector<6400x128xf32> to vector<128xf32>
    %broadcast_in_dim3A = vector.shape_cast %reduce_sum3A_7 : vector<128xf32> to vector<1x128xf32>
    %add3A = arith.addf %get3A_6, %broadcast_in_dim3A : vector<1x128xf32>
    %swap3A = arith.constant 0 : index
    %swap3A_8 = arith.constant 0 : index
    %swap3A_9 = vector.load %arg2[%swap3A, %swap3A_8] : memref<1x128xf32, #tpu.memory_space<vmem>>, vector<1x128xf32>
    tpu.vector_store %arg2[%swap3A, %swap3A_8], %add3A {strides = array<i32>} : memref<1x128xf32, #tpu.memory_space<vmem>>, vector<1x128xf32>,
    %get3A_10 = arith.constant 0 : index
    %get3A_11 = arith.constant 0 : index
    %get3A_12 = vector.load %arg3[%get3A_10, %get3A_11] : memref<1x128xf32, #tpu.memory_space<vmem>>, vector<1x128xf32>
    %mul3A = arith.mulf %get3A_3, %get3A_3 : vector<6400x128xf32>
    %reduce_sum3A_13 = arith.constant dense<0.000000e+00> : vector<128xf32>
    %reduce_sum3A_14 = vector.multi_reduction <add>, %mul3A, %reduce_sum3A_13 [0] : vector<6400x128xf32> to vector<128xf32>
    %broadcast_in_dim3A_15 = vector.shape_cast %reduce_sum3A_14 : vector<128xf32> to vector<1x128xf32>
    %add3A_16 = arith.addf %get3A_12, %broadcast_in_dim3A_15 : vector<1x128xf32>
    %swap3A_17 = arith.constant 0 : index
    %swap3A_18 = arith.constant 0 : index
    %swap3A_19 = vector.load %arg3[%swap3A_17, %swap3A_18] : memref<1x128xf32, #tpu.memory_space<vmem>>, vector<1x128xf32>
    tpu.vector_store %arg3[%swap3A_17, %swap3A_18], %add3A_16 {strides = array<i32>} : memref<1x128xf32, #tpu.memory_space<vmem>>, vector<1x128xf32>,
    return
  }
  func.func @transform_0(%arg0: i32) -> (i32, i32) {
    %c0_i32 = arith.constant 0 : i32
    %c0_i32_0 = arith.constant 0 : i32
    return %arg0, %c0_i32 : i32, i32
  }
  func.func @transform_1(%arg0: i32) -> (i32, i32) {
    %c0_i32 = arith.constant 0 : i32
    %c0_i32_0 = arith.constant 0 : i32
    %c0_i32_1 = arith.constant 0 : i32
    return %c0_i32, %c0_i32_0 : i32, i32
  }
  func.func @transform_2(%arg0: i32) -> (i32, i32) {
    %c0_i32 = arith.constant 0 : i32
    %c0_i32_0 = arith.constant 0 : i32
    %c0_i32_1 = arith.constant 0 : i32
    return %c0_i32, %c0_i32_0 : i32, i32
  }
}

module attributes {stable_mosaic.version = 14 : i64} {
  func.func @_vmat_body(%arg0: memref<4096x128xf32, #tpu.memory_space<vmem>>, %arg1: memref<128x128xf32, #tpu.memory_space<vmem>>, %arg2: memref<1x128xf32, #tpu.memory_space<vmem>>, %arg3: memref<4096x128xf32, #tpu.memory_space<vmem>>) attributes {dimension_semantics = [], scalar_prefetch = 0 : i64, scratch_operands = 0 : i64, tpu.core_type = #tpu.core_type<tc>} {
    %get3A = arith.constant 0 : index
    %get3A_0 = arith.constant 0 : index
    %get3A_1 = vector.load %arg0[%get3A, %get3A_0] : memref<4096x128xf32, #tpu.memory_space<vmem>>, vector<4096x128xf32>
    %get3A_2 = arith.constant 0 : index
    %get3A_3 = arith.constant 0 : index
    %get3A_4 = vector.load %arg1[%get3A_2, %get3A_3] : memref<128x128xf32, #tpu.memory_space<vmem>>, vector<128x128xf32>
    %dot_general3A = arith.constant dense<0.000000e+00> : vector<4096x128xf32>
    %dot_general3A_5 = tpu.matmul %get3A_1, %get3A_4, %dot_general3A {dimension_numbers = #tpu.dot_dimension_numbers<[1], [0], [0], [1], [0, 0, 1, 1], [], []>, transpose_lhs_hint = false} : vector<4096x128xf32>, vector<128x128xf32>, vector<4096x128xf32> -> vector<4096x128xf32>
    %get3A_6 = arith.constant 0 : index
    %get3A_7 = arith.constant 0 : index
    %get3A_8 = vector.load %arg2[%get3A_6, %get3A_7] : memref<1x128xf32, #tpu.memory_space<vmem>>, vector<1x128xf32>
    %add3A = vector.broadcast %get3A_8 : vector<1x128xf32> to vector<4096x128xf32>
    %add3A_9 = arith.addf %dot_general3A_5, %add3A : vector<4096x128xf32>
    %swap3A = arith.constant 0 : index
    %swap3A_10 = arith.constant 0 : index
    %swap3A_11 = vector.load %arg3[%swap3A, %swap3A_10] : memref<4096x128xf32, #tpu.memory_space<vmem>>, vector<4096x128xf32>
    tpu.vector_store %arg3[%swap3A, %swap3A_10], %add3A_9 {strides = array<i32>} : memref<4096x128xf32, #tpu.memory_space<vmem>>, vector<4096x128xf32>,
    return
  }
}

module attributes {stable_mosaic.version = 14 : i64} {
  func.func @_main_body(%arg0: i32, %arg1: memref<2560x128xf32, #tpu.memory_space<vmem>>, %arg2: memref<2560x1xi32, #tpu.memory_space<vmem>>, %arg3: memref<1x1x2560xi32, #tpu.memory_space<smem>>, %arg4: memref<2560x1xf32, #tpu.memory_space<vmem>>, %arg5: memref<4096x128xf32, #tpu.memory_space<vmem>>, %arg6: memref<128x128xf32, #tpu.memory_space<vmem>>, %arg7: memref<128x1xf32, #tpu.memory_space<vmem>>, %arg8: memref<4096x128xf32, #tpu.memory_space<vmem>>, %arg9: memref<4096x128xf32, #tpu.memory_space<vmem>>, %arg10: memref<4096x1xf32, #tpu.memory_space<vmem>>, %arg11: memref<4096x1xf32, #tpu.memory_space<vmem>>, %arg12: memref<2560x128xf32, #tpu.memory_space<vmem>>) attributes {dimension_semantics = [#tpu.dimension_semantics<arbitrary>], iteration_bounds = array<i64: 125>, scalar_prefetch = 0 : i64, scratch_operands = 1 : i64, tpu.core_type = #tpu.core_type<tc>, window_params = [{transform_indices = @transform_0, window_bounds = array<i64: 2560, 128>}, {transform_indices = @transform_1, window_bounds = array<i64: 2560, 1>}, {transform_indices = @transform_2, window_bounds = array<i64: 1, 1, 2560>}, {transform_indices = @transform_3, window_bounds = array<i64: 2560, 1>}, {pipeline_mode = #tpu.pipeline_mode<synchronous>, transform_indices = @transform_4, window_bounds = array<i64: 4096, 128>}, {pipeline_mode = #tpu.pipeline_mode<synchronous>, transform_indices = @transform_5, window_bounds = array<i64: 128, 128>}, {pipeline_mode = #tpu.pipeline_mode<synchronous>, transform_indices = @transform_6, window_bounds = array<i64: 128, 1>}, {pipeline_mode = #tpu.pipeline_mode<synchronous>, transform_indices = @transform_7, window_bounds = array<i64: 4096, 128>}, {pipeline_mode = #tpu.pipeline_mode<synchronous>, transform_indices = @transform_8, window_bounds = array<i64: 4096, 128>}, {pipeline_mode = #tpu.pipeline_mode<synchronous>, transform_indices = @transform_9, window_bounds = array<i64: 4096, 1>}, {pipeline_mode = #tpu.pipeline_mode<synchronous>, transform_indices = @transform_10, window_bounds = array<i64: 4096, 1>}]} {
    %eq3A = arith.constant 0 : i32
    %eq3A_0 = arith.cmpi eq, %arg0, %eq3A : i32
    %convert_element_type3A = arith.extui %eq3A_0 : i1 to i32
    %cond3A = arith.constant 0 : i32
    %cond3A_1 = arith.cmpi ne, %convert_element_type3A, %cond3A : i32
    scf.if %cond3A_1 {
      %broadcast_in_dim3A = arith.constant 0.000000e+00 : f32
      %broadcast_in_dim3A_31 = vector.broadcast %broadcast_in_dim3A : f32 to vector<4096x128xf32>
      %swap3A = arith.constant 0 : index
      %swap3A_32 = arith.constant 0 : index
      %swap3A_33 = vector.load %arg8[%swap3A, %swap3A_32] : memref<4096x128xf32, #tpu.memory_space<vmem>>, vector<4096x128xf32>
      tpu.vector_store %arg8[%swap3A, %swap3A_32], %broadcast_in_dim3A_31 {strides = array<i32>} : memref<4096x128xf32, #tpu.memory_space<vmem>>, vector<4096x128xf32>,
      %broadcast_in_dim3A_34 = arith.constant 0.000000e+00 : f32
      %broadcast_in_dim3A_35 = vector.broadcast %broadcast_in_dim3A_34 : f32 to vector<4096x128xf32>
      %swap3A_36 = arith.constant 0 : index
      %swap3A_37 = arith.constant 0 : index
      %swap3A_38 = vector.load %arg9[%swap3A_36, %swap3A_37] : memref<4096x128xf32, #tpu.memory_space<vmem>>, vector<4096x128xf32>
      tpu.vector_store %arg9[%swap3A_36, %swap3A_37], %broadcast_in_dim3A_35 {strides = array<i32>} : memref<4096x128xf32, #tpu.memory_space<vmem>>, vector<4096x128xf32>,
      %broadcast_in_dim3A_39 = arith.constant 0.000000e+00 : f32
      %broadcast_in_dim3A_40 = vector.broadcast %broadcast_in_dim3A_39 : f32 to vector<4096x1xf32>
      %swap3A_41 = arith.constant 0 : index
      %swap3A_42 = arith.constant 0 : index
      %swap3A_43 = vector.load %arg10[%swap3A_41, %swap3A_42] : memref<4096x1xf32, #tpu.memory_space<vmem>>, vector<4096x1xf32>
      tpu.vector_store %arg10[%swap3A_41, %swap3A_42], %broadcast_in_dim3A_40 {strides = array<i32>} : memref<4096x1xf32, #tpu.memory_space<vmem>>, vector<4096x1xf32>,
      %broadcast_in_dim3A_44 = arith.constant 0.000000e+00 : f32
      %broadcast_in_dim3A_45 = vector.broadcast %broadcast_in_dim3A_44 : f32 to vector<4096x1xf32>
      %swap3A_46 = arith.constant 0 : index
      %swap3A_47 = arith.constant 0 : index
      %swap3A_48 = vector.load %arg11[%swap3A_46, %swap3A_47] : memref<4096x1xf32, #tpu.memory_space<vmem>>, vector<4096x1xf32>
      tpu.vector_store %arg11[%swap3A_46, %swap3A_47], %broadcast_in_dim3A_45 {strides = array<i32>} : memref<4096x1xf32, #tpu.memory_space<vmem>>, vector<4096x1xf32>,
    } else {
    }
    %get3A = arith.constant 0 : index
    %get3A_2 = arith.constant 0 : index
    %get3A_3 = vector.load %arg1[%get3A, %get3A_2] : memref<2560x128xf32, #tpu.memory_space<vmem>>, vector<2560x128xf32>
    %get3A_4 = arith.constant 0 : index
    %get3A_5 = arith.constant 0 : index
    %get3A_6 = vector.load %arg2[%get3A_4, %get3A_5] : memref<2560x1xi32, #tpu.memory_space<vmem>>, vector<2560x1xi32>
    %get3A_7 = arith.constant 0 : index
    %get3A_8 = arith.constant 0 : index
    %get3A_9 = vector.load %arg4[%get3A_7, %get3A_8] : memref<2560x1xf32, #tpu.memory_space<vmem>>, vector<2560x1xf32>
    %get3A_10 = arith.constant 0 : index
    %get3A_11 = arith.constant 0 : index
    %get3A_12 = arith.constant 0 : index
    %get3A_13 = memref.load %arg3[%get3A_10, %get3A_11, %get3A_12] : memref<1x1x2560xi32, #tpu.memory_space<smem>>
    %get3A_14 = arith.constant 0 : index
    %get3A_15 = arith.constant 0 : index
    %get3A_16 = arith.constant 2559 : index
    %get3A_17 = memref.load %arg3[%get3A_14, %get3A_15, %get3A_16] : memref<1x1x2560xi32, #tpu.memory_space<smem>>
    %min3A = arith.constant 4032 : i32
    %min3A_18 = arith.minsi %get3A_13, %min3A : i32
    %sub3A = arith.subi %get3A_17, %min3A_18 : i32
    %lt3A = arith.constant 64 : i32
    %lt3A_19 = arith.cmpi slt, %sub3A, %lt3A : i32
    %get3A_20 = arith.constant 0 : index
    %get3A_21 = arith.constant 0 : index
    %get3A_22 = vector.load %arg6[%get3A_20, %get3A_21] : memref<128x128xf32, #tpu.memory_space<vmem>>, vector<128x128xf32>
    %dot_general3A = arith.constant dense<0.000000e+00> : vector<2560x128xf32>
    %dot_general3A_23 = tpu.matmul %get3A_3, %get3A_22, %dot_general3A {dimension_numbers = #tpu.dot_dimension_numbers<[1], [0], [0], [1], [0, 0, 1, 1], [], []>, transpose_lhs_hint = false} : vector<2560x128xf32>, vector<128x128xf32>, vector<2560x128xf32> -> vector<2560x128xf32>
    %convert_element_type3A_24 = arith.extui %lt3A_19 : i1 to i32
    %cond3A_25 = arith.constant 0 : i32
    %cond3A_26 = arith.cmpi ne, %convert_element_type3A_24, %cond3A_25 : i32
    scf.if %cond3A_26 {
      %iota3A = tpu.iota {dimensions = array<i32: 1>} : vector<1x64xi32>
      %sub3A_31 = vector.broadcast %min3A_18 : i32 to vector<2560x1xi32>
      %sub3A_32 = arith.subi %get3A_6, %sub3A_31 : vector<2560x1xi32>
      %eq3A_33 = vector.broadcast %sub3A_32 : vector<2560x1xi32> to vector<2560x64xi32>
      %eq3A_34 = vector.broadcast %iota3A : vector<1x64xi32> to vector<2560x64xi32>
      %eq3A_35 = arith.cmpi eq, %eq3A_33, %eq3A_34 : vector<2560x64xi32>
      %convert_element_type3A_36 = arith.extui %eq3A_35 : vector<2560x64xi1> to vector<2560x64xi32>
      %convert_element_type3A_37 = arith.sitofp %convert_element_type3A_36 : vector<2560x64xi32> to vector<2560x64xf32>
      %get3A_38 = arith.index_cast %min3A_18 : i32 to index
      %get3A_39 = arith.constant 0 : index
      %get3A_40 = vector.load %arg5[%get3A_38, %get3A_39] : memref<4096x128xf32, #tpu.memory_space<vmem>>, vector<64x128xf32>
      %dot_general3A_41 = arith.constant dense<0.000000e+00> : vector<2560x128xf32>
      %dot_general3A_42 = tpu.matmul %convert_element_type3A_37, %get3A_40, %dot_general3A_41 {dimension_numbers = #tpu.dot_dimension_numbers<[1], [0], [0], [1], [0, 0, 1, 1], [], []>, transpose_lhs_hint = false} : vector<2560x64xf32>, vector<64x128xf32>, vector<2560x128xf32> -> vector<2560x128xf32>
      %add3A = arith.addf %dot_general3A_23, %dot_general3A_42 : vector<2560x128xf32>
      %logistic3A = arith.negf %add3A : vector<2560x128xf32>
      %logistic3A_43 = math.exp %logistic3A : vector<2560x128xf32>
      %logistic3A_44 = arith.constant 1.000000e+00 : f32
      %logistic3A_45 = vector.broadcast %logistic3A_44 : f32 to vector<2560x128xf32>
      %logistic3A_46 = arith.addf %logistic3A_45, %logistic3A_43 : vector<2560x128xf32>
      %logistic3A_47 = arith.divf %logistic3A_45, %logistic3A_46 : vector<2560x128xf32>
      %get3A_48 = arith.constant 0 : index
      %get3A_49 = arith.constant 0 : index
      %get3A_50 = vector.load %arg7[%get3A_48, %get3A_49] : memref<128x1xf32, #tpu.memory_space<vmem>>, vector<128x1xf32>
      %dot_general3A_51 = arith.constant dense<0.000000e+00> : vector<2560x1xf32>
      %dot_general3A_52 = tpu.matmul %logistic3A_47, %get3A_50, %dot_general3A_51 {dimension_numbers = #tpu.dot_dimension_numbers<[1], [0], [0], [1], [0, 0, 1, 1], [], []>, transpose_lhs_hint = false} : vector<2560x128xf32>, vector<128x1xf32>, vector<2560x1xf32> -> vector<2560x1xf32>
      %exp3A = math.exp %dot_general3A_52 : vector<2560x1xf32>
      %mul3A = vector.broadcast %exp3A : vector<2560x1xf32> to vector<2560x64xf32>
      %mul3A_53 = arith.mulf %convert_element_type3A_37, %mul3A : vector<2560x64xf32>
      %mul3A_54 = vector.broadcast %get3A_9 : vector<2560x1xf32> to vector<2560x64xf32>
      %mul3A_55 = arith.mulf %convert_element_type3A_37, %mul3A_54 : vector<2560x64xf32>
      %concatenate3A = tpu.concatenate %mul3A_53, %mul3A_55 in 1 : vector<2560x64xf32>, vector<2560x64xf32> -> vector<2560x128xf32>
      %broadcast_in_dim3A = arith.constant 1.000000e+00 : f32
      %broadcast_in_dim3A_56 = vector.broadcast %broadcast_in_dim3A : f32 to vector<2560x1xf32>
      %dot_general3A_57 = arith.constant dense<0.000000e+00> : vector<128x128xf32>
      %dot_general3A_58 = tpu.matmul %concatenate3A, %get3A_3, %dot_general3A_57 {dimension_numbers = #tpu.dot_dimension_numbers<[0], [0], [1], [1], [0, 1, 1, 1], [], []>, transpose_lhs_hint = false} : vector<2560x128xf32>, vector<2560x128xf32>, vector<128x128xf32> -> vector<128x128xf32>
      %dot_general3A_59 = arith.constant dense<0.000000e+00> : vector<128x1xf32>
      %dot_general3A_60 = tpu.matmul %concatenate3A, %broadcast_in_dim3A_56, %dot_general3A_59 {dimension_numbers = #tpu.dot_dimension_numbers<[0], [0], [1], [1], [0, 1, 1, 1], [], []>, transpose_lhs_hint = false} : vector<2560x128xf32>, vector<2560x1xf32>, vector<128x1xf32> -> vector<128x1xf32>
      %get3A_61 = arith.index_cast %min3A_18 : i32 to index
      %get3A_62 = arith.constant 0 : index
      %get3A_63 = vector.load %arg8[%get3A_61, %get3A_62] : memref<4096x128xf32, #tpu.memory_space<vmem>>, vector<64x128xf32>
      %slice3A = vector.extract_strided_slice %dot_general3A_58 {offsets = [0, 0], sizes = [64, 128], strides = [1, 1]} : vector<128x128xf32> to vector<64x128xf32>
      %add3A_64 = arith.addf %get3A_63, %slice3A : vector<64x128xf32>
      %swap3A = arith.index_cast %min3A_18 : i32 to index
      %swap3A_65 = arith.constant 0 : index
      %swap3A_66 = vector.load %arg8[%swap3A, %swap3A_65] : memref<4096x128xf32, #tpu.memory_space<vmem>>, vector<64x128xf32>
      tpu.vector_store %arg8[%swap3A, %swap3A_65], %add3A_64 {strides = array<i32>} : memref<4096x128xf32, #tpu.memory_space<vmem>>, vector<64x128xf32>,
      %get3A_67 = arith.index_cast %min3A_18 : i32 to index
      %get3A_68 = arith.constant 0 : index
      %get3A_69 = vector.load %arg9[%get3A_67, %get3A_68] : memref<4096x128xf32, #tpu.memory_space<vmem>>, vector<64x128xf32>
      %slice3A_70 = vector.extract_strided_slice %dot_general3A_58 {offsets = [64, 0], sizes = [64, 128], strides = [1, 1]} : vector<128x128xf32> to vector<64x128xf32>
      %add3A_71 = arith.addf %get3A_69, %slice3A_70 : vector<64x128xf32>
      %swap3A_72 = arith.index_cast %min3A_18 : i32 to index
      %swap3A_73 = arith.constant 0 : index
      %swap3A_74 = vector.load %arg9[%swap3A_72, %swap3A_73] : memref<4096x128xf32, #tpu.memory_space<vmem>>, vector<64x128xf32>
      tpu.vector_store %arg9[%swap3A_72, %swap3A_73], %add3A_71 {strides = array<i32>} : memref<4096x128xf32, #tpu.memory_space<vmem>>, vector<64x128xf32>,
      %get3A_75 = arith.index_cast %min3A_18 : i32 to index
      %get3A_76 = arith.constant 0 : index
      %get3A_77 = vector.load %arg10[%get3A_75, %get3A_76] : memref<4096x1xf32, #tpu.memory_space<vmem>>, vector<64x1xf32>
      %slice3A_78 = vector.extract_strided_slice %dot_general3A_60 {offsets = [0, 0], sizes = [64, 1], strides = [1, 1]} : vector<128x1xf32> to vector<64x1xf32>
      %add3A_79 = arith.addf %get3A_77, %slice3A_78 : vector<64x1xf32>
      %swap3A_80 = arith.index_cast %min3A_18 : i32 to index
      %swap3A_81 = arith.constant 0 : index
      %swap3A_82 = vector.load %arg10[%swap3A_80, %swap3A_81] : memref<4096x1xf32, #tpu.memory_space<vmem>>, vector<64x1xf32>
      tpu.vector_store %arg10[%swap3A_80, %swap3A_81], %add3A_79 {strides = array<i32>} : memref<4096x1xf32, #tpu.memory_space<vmem>>, vector<64x1xf32>,
      %get3A_83 = arith.index_cast %min3A_18 : i32 to index
      %get3A_84 = arith.constant 0 : index
      %get3A_85 = vector.load %arg11[%get3A_83, %get3A_84] : memref<4096x1xf32, #tpu.memory_space<vmem>>, vector<64x1xf32>
      %slice3A_86 = vector.extract_strided_slice %dot_general3A_60 {offsets = [64, 0], sizes = [64, 1], strides = [1, 1]} : vector<128x1xf32> to vector<64x1xf32>
      %add3A_87 = arith.addf %get3A_85, %slice3A_86 : vector<64x1xf32>
      %swap3A_88 = arith.index_cast %min3A_18 : i32 to index
      %swap3A_89 = arith.constant 0 : index
      %swap3A_90 = vector.load %arg11[%swap3A_88, %swap3A_89] : memref<4096x1xf32, #tpu.memory_space<vmem>>, vector<64x1xf32>
      tpu.vector_store %arg11[%swap3A_88, %swap3A_89], %add3A_87 {strides = array<i32>} : memref<4096x1xf32, #tpu.memory_space<vmem>>, vector<64x1xf32>,
    } else {
    }
    %not3A = arith.constant true
    %not3A_27 = arith.xori %lt3A_19, %not3A : i1
    %convert_element_type3A_28 = arith.extui %not3A_27 : i1 to i32
    %cond3A_29 = arith.constant 0 : i32
    %cond3A_30 = arith.cmpi ne, %convert_element_type3A_28, %cond3A_29 : i32
    scf.if %cond3A_30 {
      %iota3A = tpu.iota {dimensions = array<i32: 0>} : vector<2560x1xi32>
      %swap3A = arith.constant 0 : index
      %swap3A_31 = arith.constant 0 : index
      %swap3A_32 = vector.load %arg12[%swap3A, %swap3A_31] : memref<2560x128xf32, #tpu.memory_space<vmem>>, vector<2560x128xf32>
      tpu.vector_store %arg12[%swap3A, %swap3A_31], %dot_general3A_23 {strides = array<i32>} : memref<2560x128xf32, #tpu.memory_space<vmem>>, vector<2560x128xf32>,
      %while3A = arith.constant 0 : i32
      %while3A_33 = scf.while (%while3A_49 = %while3A) : (i32) -> i32 {
        %lt3A_50 = arith.constant 2560 : i32
        %lt3A_51 = arith.cmpi slt, %while3A_49, %lt3A_50 : i32
        scf.condition(%lt3A_51) %while3A_49 : i32
      } do {
      ^bb0(%while3A_49: i32):
        %get3A_50 = arith.constant 0 : index
        %get3A_51 = arith.constant 0 : index
        %get3A_52 = arith.index_cast %while3A_49 : i32 to index
        %get3A_53 = memref.load %arg3[%get3A_50, %get3A_51, %get3A_52] : memref<1x1x2560xi32, #tpu.memory_space<smem>>
        %eq3A_54 = vector.broadcast %get3A_53 : i32 to vector<2560x1xi32>
        %eq3A_55 = arith.cmpi eq, %get3A_6, %eq3A_54 : vector<2560x1xi32>
        %jit3A = arith.constant 1 : i32
        %jit3A_56 = arith.constant 0 : i32
        %broadcast_in_dim3A = vector.broadcast %jit3A : i32 to vector<2560x1xi32>
        %broadcast_in_dim3A_57 = vector.broadcast %jit3A_56 : i32 to vector<2560x1xi32>
        %select_n3A = arith.select %eq3A_55, %broadcast_in_dim3A, %broadcast_in_dim3A_57 : vector<2560x1xi1>, vector<2560x1xi32>
        %reduce_sum3A = vector.shape_cast %select_n3A : vector<2560x1xi32> to vector<1x2560x1xi32>
        %reduce_sum3A_58 = arith.constant dense<0> : vector<1xi32>
        %reduce_sum3A_59 = vector.multi_reduction <add>, %reduce_sum3A, %reduce_sum3A_58 [1, 2] : vector<1x2560x1xi32> to vector<1xi32>
        %reduce_sum3A_60 = vector.shape_cast %reduce_sum3A_59 : vector<1xi32> to vector<1x1x1xi32>
        %reduce_sum3A_61 = vector.extract %reduce_sum3A_60[0, 0, 0] : i32 from vector<1x1x1xi32>
        %add3A = arith.addi %while3A_49, %reduce_sum3A_61 : i32
        %ge3A = vector.broadcast %while3A_49 : i32 to vector<2560x1xi32>
        %ge3A_62 = arith.cmpi sge, %iota3A, %ge3A : vector<2560x1xi32>
        %lt3A_63 = vector.broadcast %add3A : i32 to vector<2560x1xi32>
        %lt3A_64 = arith.cmpi slt, %iota3A, %lt3A_63 : vector<2560x1xi32>
        %and3A = arith.andi %ge3A_62, %lt3A_64 : vector<2560x1xi1>
        %jit3A_65 = arith.constant 1.000000e+00 : f32
        %jit3A_66 = arith.constant 0.000000e+00 : f32
        %broadcast_in_dim3A_67 = vector.broadcast %jit3A_65 : f32 to vector<2560x1xf32>
        %broadcast_in_dim3A_68 = vector.broadcast %jit3A_66 : f32 to vector<2560x1xf32>
        %select_n3A_69 = arith.select %and3A, %broadcast_in_dim3A_67, %broadcast_in_dim3A_68 : vector<2560x1xi1>, vector<2560x1xf32>
        %get3A_70 = arith.constant 0 : index
        %get3A_71 = arith.constant 0 : index
        %get3A_72 = vector.load %arg12[%get3A_70, %get3A_71] : memref<2560x128xf32, #tpu.memory_space<vmem>>, vector<2560x128xf32>
        %get3A_73 = arith.index_cast %get3A_53 : i32 to index
        %get3A_74 = arith.constant 0 : index
        %get3A_75 = vector.load %arg5[%get3A_73, %get3A_74] : memref<4096x128xf32, #tpu.memory_space<vmem>>, vector<1x128xf32>
        %mul3A = vector.broadcast %select_n3A_69 : vector<2560x1xf32> to vector<2560x128xf32>
        %mul3A_76 = vector.broadcast %get3A_75 : vector<1x128xf32> to vector<2560x128xf32>
        %mul3A_77 = arith.mulf %mul3A, %mul3A_76 : vector<2560x128xf32>
        %add3A_78 = arith.addf %get3A_72, %mul3A_77 : vector<2560x128xf32>
        %swap3A_79 = arith.constant 0 : index
        %swap3A_80 = arith.constant 0 : index
        %swap3A_81 = vector.load %arg12[%swap3A_79, %swap3A_80] : memref<2560x128xf32, #tpu.memory_space<vmem>>, vector<2560x128xf32>
        tpu.vector_store %arg12[%swap3A_79, %swap3A_80], %add3A_78 {strides = array<i32>} : memref<2560x128xf32, #tpu.memory_space<vmem>>, vector<2560x128xf32>,
        scf.yield %add3A : i32
      }
      %get3A_34 = arith.constant 0 : index
      %get3A_35 = arith.constant 0 : index
      %get3A_36 = vector.load %arg12[%get3A_34, %get3A_35] : memref<2560x128xf32, #tpu.memory_space<vmem>>, vector<2560x128xf32>
      %logistic3A = arith.negf %get3A_36 : vector<2560x128xf32>
      %logistic3A_37 = math.exp %logistic3A : vector<2560x128xf32>
      %logistic3A_38 = arith.constant 1.000000e+00 : f32
      %logistic3A_39 = vector.broadcast %logistic3A_38 : f32 to vector<2560x128xf32>
      %logistic3A_40 = arith.addf %logistic3A_39, %logistic3A_37 : vector<2560x128xf32>
      %logistic3A_41 = arith.divf %logistic3A_39, %logistic3A_40 : vector<2560x128xf32>
      %get3A_42 = arith.constant 0 : index
      %get3A_43 = arith.constant 0 : index
      %get3A_44 = vector.load %arg7[%get3A_42, %get3A_43] : memref<128x1xf32, #tpu.memory_space<vmem>>, vector<128x1xf32>
      %dot_general3A_45 = arith.constant dense<0.000000e+00> : vector<2560x1xf32>
      %dot_general3A_46 = tpu.matmul %logistic3A_41, %get3A_44, %dot_general3A_45 {dimension_numbers = #tpu.dot_dimension_numbers<[1], [0], [0], [1], [0, 0, 1, 1], [], []>, transpose_lhs_hint = false} : vector<2560x128xf32>, vector<128x1xf32>, vector<2560x1xf32> -> vector<2560x1xf32>
      %exp3A = math.exp %dot_general3A_46 : vector<2560x1xf32>
      %while3A_47 = arith.constant 0 : i32
      %while3A_48 = scf.while (%while3A_49 = %while3A_47) : (i32) -> i32 {
        %lt3A_50 = arith.constant 2560 : i32
        %lt3A_51 = arith.cmpi slt, %while3A_49, %lt3A_50 : i32
        scf.condition(%lt3A_51) %while3A_49 : i32
      } do {
      ^bb0(%while3A_49: i32):
        %get3A_50 = arith.constant 0 : index
        %get3A_51 = arith.constant 0 : index
        %get3A_52 = arith.index_cast %while3A_49 : i32 to index
        %get3A_53 = memref.load %arg3[%get3A_50, %get3A_51, %get3A_52] : memref<1x1x2560xi32, #tpu.memory_space<smem>>
        %eq3A_54 = vector.broadcast %get3A_53 : i32 to vector<2560x1xi32>
        %eq3A_55 = arith.cmpi eq, %get3A_6, %eq3A_54 : vector<2560x1xi32>
        %jit3A = arith.constant 1 : i32
        %jit3A_56 = arith.constant 0 : i32
        %broadcast_in_dim3A = vector.broadcast %jit3A : i32 to vector<2560x1xi32>
        %broadcast_in_dim3A_57 = vector.broadcast %jit3A_56 : i32 to vector<2560x1xi32>
        %select_n3A = arith.select %eq3A_55, %broadcast_in_dim3A, %broadcast_in_dim3A_57 : vector<2560x1xi1>, vector<2560x1xi32>
        %reduce_sum3A = vector.shape_cast %select_n3A : vector<2560x1xi32> to vector<1x2560x1xi32>
        %reduce_sum3A_58 = arith.constant dense<0> : vector<1xi32>
        %reduce_sum3A_59 = vector.multi_reduction <add>, %reduce_sum3A, %reduce_sum3A_58 [1, 2] : vector<1x2560x1xi32> to vector<1xi32>
        %reduce_sum3A_60 = vector.shape_cast %reduce_sum3A_59 : vector<1xi32> to vector<1x1x1xi32>
        %reduce_sum3A_61 = vector.extract %reduce_sum3A_60[0, 0, 0] : i32 from vector<1x1x1xi32>
        %add3A = arith.addi %while3A_49, %reduce_sum3A_61 : i32
        %ge3A = vector.broadcast %while3A_49 : i32 to vector<2560x1xi32>
        %ge3A_62 = arith.cmpi sge, %iota3A, %ge3A : vector<2560x1xi32>
        %lt3A_63 = vector.broadcast %add3A : i32 to vector<2560x1xi32>
        %lt3A_64 = arith.cmpi slt, %iota3A, %lt3A_63 : vector<2560x1xi32>
        %and3A = arith.andi %ge3A_62, %lt3A_64 : vector<2560x1xi1>
        %jit3A_65 = arith.constant 1.000000e+00 : f32
        %jit3A_66 = arith.constant 0.000000e+00 : f32
        %broadcast_in_dim3A_67 = vector.broadcast %jit3A_65 : f32 to vector<2560x1xf32>
        %broadcast_in_dim3A_68 = vector.broadcast %jit3A_66 : f32 to vector<2560x1xf32>
        %select_n3A_69 = arith.select %and3A, %broadcast_in_dim3A_67, %broadcast_in_dim3A_68 : vector<2560x1xi1>, vector<2560x1xf32>
        %mul3A = arith.mulf %select_n3A_69, %exp3A : vector<2560x1xf32>
        %mul3A_70 = arith.mulf %select_n3A_69, %get3A_9 : vector<2560x1xf32>
        %get3A_71 = arith.index_cast %get3A_53 : i32 to index
        %get3A_72 = arith.constant 0 : index
        %get3A_73 = vector.load %arg8[%get3A_71, %get3A_72] : memref<4096x128xf32, #tpu.memory_space<vmem>>, vector<1x128xf32>
        %mul3A_74 = vector.broadcast %mul3A : vector<2560x1xf32> to vector<2560x128xf32>
        %mul3A_75 = arith.mulf %mul3A_74, %get3A_3 : vector<2560x128xf32>
        %reduce_sum3A_76 = arith.constant dense<0.000000e+00> : vector<128xf32>
        %reduce_sum3A_77 = vector.multi_reduction <add>, %mul3A_75, %reduce_sum3A_76 [0] : vector<2560x128xf32> to vector<128xf32>
        %broadcast_in_dim3A_78 = vector.shape_cast %reduce_sum3A_77 : vector<128xf32> to vector<1x128xf32>
        %add3A_79 = arith.addf %get3A_73, %broadcast_in_dim3A_78 : vector<1x128xf32>
        %swap3A_80 = arith.index_cast %get3A_53 : i32 to index
        %swap3A_81 = arith.constant 0 : index
        %swap3A_82 = vector.load %arg8[%swap3A_80, %swap3A_81] : memref<4096x128xf32, #tpu.memory_space<vmem>>, vector<1x128xf32>
        tpu.vector_store %arg8[%swap3A_80, %swap3A_81], %add3A_79 {strides = array<i32>} : memref<4096x128xf32, #tpu.memory_space<vmem>>, vector<1x128xf32>,
        %get3A_83 = arith.index_cast %get3A_53 : i32 to index
        %get3A_84 = arith.constant 0 : index
        %get3A_85 = vector.load %arg9[%get3A_83, %get3A_84] : memref<4096x128xf32, #tpu.memory_space<vmem>>, vector<1x128xf32>
        %mul3A_86 = vector.broadcast %mul3A_70 : vector<2560x1xf32> to vector<2560x128xf32>
        %mul3A_87 = arith.mulf %mul3A_86, %get3A_3 : vector<2560x128xf32>
        %reduce_sum3A_88 = arith.constant dense<0.000000e+00> : vector<128xf32>
        %reduce_sum3A_89 = vector.multi_reduction <add>, %mul3A_87, %reduce_sum3A_88 [0] : vector<2560x128xf32> to vector<128xf32>
        %broadcast_in_dim3A_90 = vector.shape_cast %reduce_sum3A_89 : vector<128xf32> to vector<1x128xf32>
        %add3A_91 = arith.addf %get3A_85, %broadcast_in_dim3A_90 : vector<1x128xf32>
        %swap3A_92 = arith.index_cast %get3A_53 : i32 to index
        %swap3A_93 = arith.constant 0 : index
        %swap3A_94 = vector.load %arg9[%swap3A_92, %swap3A_93] : memref<4096x128xf32, #tpu.memory_space<vmem>>, vector<1x128xf32>
        tpu.vector_store %arg9[%swap3A_92, %swap3A_93], %add3A_91 {strides = array<i32>} : memref<4096x128xf32, #tpu.memory_space<vmem>>, vector<1x128xf32>,
        %get3A_95 = arith.index_cast %get3A_53 : i32 to index
        %get3A_96 = arith.constant 0 : index
        %get3A_97 = vector.load %arg10[%get3A_95, %get3A_96] : memref<4096x1xf32, #tpu.memory_space<vmem>>, vector<1x1xf32>
        %reduce_sum3A_98 = arith.constant dense<0.000000e+00> : vector<1xf32>
        %reduce_sum3A_99 = vector.multi_reduction <add>, %mul3A, %reduce_sum3A_98 [0] : vector<2560x1xf32> to vector<1xf32>
        %broadcast_in_dim3A_100 = vector.shape_cast %reduce_sum3A_99 : vector<1xf32> to vector<1x1xf32>
        %add3A_101 = arith.addf %get3A_97, %broadcast_in_dim3A_100 : vector<1x1xf32>
        %swap3A_102 = arith.index_cast %get3A_53 : i32 to index
        %swap3A_103 = arith.constant 0 : index
        %swap3A_104 = vector.load %arg10[%swap3A_102, %swap3A_103] : memref<4096x1xf32, #tpu.memory_space<vmem>>, vector<1x1xf32>
        tpu.vector_store %arg10[%swap3A_102, %swap3A_103], %add3A_101 {strides = array<i32>} : memref<4096x1xf32, #tpu.memory_space<vmem>>, vector<1x1xf32>,
        %get3A_105 = arith.index_cast %get3A_53 : i32 to index
        %get3A_106 = arith.constant 0 : index
        %get3A_107 = vector.load %arg11[%get3A_105, %get3A_106] : memref<4096x1xf32, #tpu.memory_space<vmem>>, vector<1x1xf32>
        %reduce_sum3A_108 = arith.constant dense<0.000000e+00> : vector<1xf32>
        %reduce_sum3A_109 = vector.multi_reduction <add>, %mul3A_70, %reduce_sum3A_108 [0] : vector<2560x1xf32> to vector<1xf32>
        %broadcast_in_dim3A_110 = vector.shape_cast %reduce_sum3A_109 : vector<1xf32> to vector<1x1xf32>
        %add3A_111 = arith.addf %get3A_107, %broadcast_in_dim3A_110 : vector<1x1xf32>
        %swap3A_112 = arith.index_cast %get3A_53 : i32 to index
        %swap3A_113 = arith.constant 0 : index
        %swap3A_114 = vector.load %arg11[%swap3A_112, %swap3A_113] : memref<4096x1xf32, #tpu.memory_space<vmem>>, vector<1x1xf32>
        tpu.vector_store %arg11[%swap3A_112, %swap3A_113], %add3A_111 {strides = array<i32>} : memref<4096x1xf32, #tpu.memory_space<vmem>>, vector<1x1xf32>,
        scf.yield %add3A : i32
      }
    } else {
    }
    return
  }
  func.func @transform_0(%arg0: i32) -> (i32, i32) {
    %c0_i32 = arith.constant 0 : i32
    %c0_i32_0 = arith.constant 0 : i32
    return %arg0, %c0_i32 : i32, i32
  }
  func.func @transform_1(%arg0: i32) -> (i32, i32) {
    %c0_i32 = arith.constant 0 : i32
    %c0_i32_0 = arith.constant 0 : i32
    return %arg0, %c0_i32 : i32, i32
  }
  func.func @transform_2(%arg0: i32) -> (i32, i32, i32) {
    %c0_i32 = arith.constant 0 : i32
    %c0_i32_0 = arith.constant 0 : i32
    %c0_i32_1 = arith.constant 0 : i32
    return %arg0, %c0_i32, %c0_i32_0 : i32, i32, i32
  }
  func.func @transform_3(%arg0: i32) -> (i32, i32) {
    %c0_i32 = arith.constant 0 : i32
    %c0_i32_0 = arith.constant 0 : i32
    return %arg0, %c0_i32 : i32, i32
  }
  func.func @transform_4(%arg0: i32) -> (i32, i32) {
    %c0_i32 = arith.constant 0 : i32
    %c0_i32_0 = arith.constant 0 : i32
    %c0_i32_1 = arith.constant 0 : i32
    return %c0_i32, %c0_i32_0 : i32, i32
  }
  func.func @transform_5(%arg0: i32) -> (i32, i32) {
    %c0_i32 = arith.constant 0 : i32
    %c0_i32_0 = arith.constant 0 : i32
    %c0_i32_1 = arith.constant 0 : i32
    return %c0_i32, %c0_i32_0 : i32, i32
  }
  func.func @transform_6(%arg0: i32) -> (i32, i32) {
    %c0_i32 = arith.constant 0 : i32
    %c0_i32_0 = arith.constant 0 : i32
    %c0_i32_1 = arith.constant 0 : i32
    return %c0_i32, %c0_i32_0 : i32, i32
  }
  func.func @transform_7(%arg0: i32) -> (i32, i32) {
    %c0_i32 = arith.constant 0 : i32
    %c0_i32_0 = arith.constant 0 : i32
    %c0_i32_1 = arith.constant 0 : i32
    return %c0_i32, %c0_i32_0 : i32, i32
  }
  func.func @transform_8(%arg0: i32) -> (i32, i32) {
    %c0_i32 = arith.constant 0 : i32
    %c0_i32_0 = arith.constant 0 : i32
    %c0_i32_1 = arith.constant 0 : i32
    return %c0_i32, %c0_i32_0 : i32, i32
  }
  func.func @transform_9(%arg0: i32) -> (i32, i32) {
    %c0_i32 = arith.constant 0 : i32
    %c0_i32_0 = arith.constant 0 : i32
    %c0_i32_1 = arith.constant 0 : i32
    return %c0_i32, %c0_i32_0 : i32, i32
  }
  func.func @transform_10(%arg0: i32) -> (i32, i32) {
    %c0_i32 = arith.constant 0 : i32
    %c0_i32_0 = arith.constant 0 : i32
    %c0_i32_1 = arith.constant 0 : i32
    return %c0_i32, %c0_i32_0 : i32, i32
  }
}

</mosaic_0001>

<sc_bundles>
// kernel: kernel.6.cloned.1.call-start
scs
__scs_entry_jumppad:
0x0: {  	(pc) =	sbr.rel $0x88, $3  }
0x1: {  	(tag) =	ssettag $0x0;
	lr =	simm.s32 $0x1  }
0x2: {  	[smem:$0x3F97] =	sst lr;
	_ =	strace $0xD0000000  }
0x3: {  	_ = 	snop  }
0x4: {  	_ = 	snop  }
0x5: {  	_ = 	snop  }
0x6: {  	_ = 	snop  }
0x7: {  	_ = 	snop  }
__scs_overlays_trampoline_lowered:
0x8: {  	[smem:$0x3FA6] =	sst s0  }
0x9: {  	[smem:$0x3FA7] =	sst s1  }
0xa: {  	[smem:$0x3FA8] =	sst s2  }
0xb: {  	[smem:$0x3FA9] =	sst s3  }
0xc: {  	[smem:$0x3FAA] =	sst s4  }
0xd: {  	[smem:$0x3FAB] =	sst s5  }
0xe: {  	[smem:$0x3FAC] =	sst s6  }
0xf: {  	[smem:$0x3FAD] =	sst s7  }
0x10: {  	[smem:$0x3FAE] =	sst s8  }
0x11: {  	[smem:$0x3FAF] =	sst s9;
	s0 =	simm.s32 @!p0 $0x0  }
0x12: {  	s1 =	sld [smem:$0x3F95];
	s0 =	simm.s32 @p0 $0x1  }
0x13: {  	[smem:$0x3FB0] =	sst s0;
	s0 =	simm.s32 @!p1 $0x0  }
0x14: {  	s2 =	sld [smem:$0x3F94];
	s0 =	simm.s32 @p1 $0x1  }
0x15: {  	[smem:$0x3FB1] =	sst s0;
	s0 =	simm.s32 @!p2 $0x0  }
0x16: {  	s3 =	sld [smem:$0x3FDB];
	s0 =	simm.s32 @p2 $0x1  }
0x17: {  	s4 =	simm.s32 $0x1BF5;
	[smem:$0x3FB3] =	sst s0  }
0x18: {  	s0 =	sld [smem:$0x3F96];
	_ =	swait.ge [sflag:s4], $0x0  }
0x19: {  	s7 =	sld [smem:$0x3F97]  }
0x1a: {  	s8 =	sadd.s32 $0xFFFFE003, lr  }
0x1b: {  	s9 =	sadd.s32 $0xFFFFFEF7, lr;
	s5 =	simm.s32 $0xFFFFFFFF;
	p2 =	slt.u32 s8, $0xFFFFF086  }
0x1c: {  	p1 =	slt.u32 s9, $0xF7A;
	s5 =	simm.s32 @!p2 $0x0  }
0x1d: {  	s5 =	simm.s32 @p1 $0x1;
	p0 =	seq.s32 s7, s2  }
0x1e: {  	s7 =	smul.u32 @!p0 $0xF7A, s2;
	p2 =	seq.s32 @!p0 s5, $0x0  }
0x1f: {  	s9 =	smul.u32 $0xF7A, s1;
	s8 =	simm.s32 @!p0 $0x1BF5;
	p2 =	por !p2, p0  }
0x20: {  	[sflag:s8] =	ssyncset.s32 @!p0 $0xFFFFF086;
	s6 =	sadd.s32 @!p0 s3, s7;
	s7 =	simm.s32 @!p0 $0x108  }
0x21: {  	s3 =	sadd.s32 s3, s9;
	s6 =	sadd.s32 @!p0 $0x88, s6;
	s7 =	simm.s32 @p2 $0x1082  }
0x22: {  	[simem:s7], [sflag:s8] =	dma.local @!p0 [hbm:s6], $0xF7A  }
0x23: {  	s9 =	sor.u32 $0xD0000000, s2;
	s6 =	simm.s32 $0x108;
	_ =	swait.ge @!p0 [sflag:s8], $0x0  }
0x24: {  	s3 =	sadd.s32 $0x88, s3;
	s6 =	simm.s32 @!p1 $0x1082;
	[sflag:s4] =	ssyncset.s32 $0xFFFFF086  }
0x25: {  	[simem:s6], [sflag:s4] =	dma.local [hbm:s3], $0xF7A  }
0x26: {  	[smem:$0x3F97] =	sst s1;
	(tag) =	ssettag s2;
	_ =	strace s9  }
0x27: {  	s1 =	sld [smem:$0x3FA7]  }
0x28: {  	s2 =	sld [smem:$0x3FA8]  }
0x29: {  	s4 =	sld [smem:$0x3FAA]  }
0x2a: {  	p0 =	seq.s32 s5, $0x0;
	s5 =	sld [smem:$0x3FAB]  }
0x2b: {  	s6 =	sld [smem:$0x3FAC]  }
0x2c: {  	s7 =	sld [smem:$0x3FAD]  }
0x2d: {  	s3 =	simm.s32 $0x108;
	s8 =	sld [smem:$0x3FAE]  }
0x2e: {  	s3 =	simm.s32 @!p0 $0x1082;
	s9 =	sld [smem:$0x3FAF]  }
0x2f: {  	lr =	sadd.s32 s0, s3;
	s0 =	sld [smem:$0x3FA6]  }
0x30: {  	s3 =	sld [smem:$0x3FA9]  }
0x31: {  	[smem:$0x3FB2] =	sst s10  }
0x32: {  	s10 =	sld [smem:$0x3FB0];
	_ =	sdelay $0x3  }
0x33: {  	p0 =	seq.s32 s10, $0x1;
	s10 =	sld [smem:$0x3FB2];
	_ =	sdelay $0x3  }
0x34: {  	[smem:$0x3FB2] =	sst s10  }
0x35: {  	s10 =	sld [smem:$0x3FB1];
	_ =	sdelay $0x3  }
0x36: {  	p1 =	seq.s32 s10, $0x1;
	s10 =	sld [smem:$0x3FB2];
	_ =	sdelay $0x3  }
0x37: {  	[smem:$0x3FB2] =	sst s10  }
0x38: {  	s10 =	sld [smem:$0x3FB3]  }
0x39: {  	_ = 	snop;
	(pc) =	sbr.ind lr, $3  }
0x3a: {  	_ = 	snop  }
0x3b: {  	_ = 	snop  }
0x3c: {  	p2 =	seq.s32 s10, $0x1;
	s10 =	sld [smem:$0x3FB2]  }
0x3d: {  	_ =	shalt  }
0x3e: {  	_ =	shalt  }
0x3f: {  	_ =	shalt  }
0x40: {  	_ =	shalt  }
0x41: {  	_ =	shalt  }
0x42: {  	_ =	shalt  }
0x43: {  	_ =	shalt  }
0x44: {  	_ =	shalt  }
0x45: {  	_ =	shalt  }
0x46: {  	_ =	shalt  }
0x47: {  	_ =	shalt  }
0x48: {  	_ =	shalt  }
0x49: {  	_ =	shalt  }
0x4a: {  	_ =	shalt  }
0x4b: {  	_ =	shalt  }
0x4c: {  	_ =	shalt  }
0x4d: {  	_ =	shalt  }
0x4e: {  	_ =	shalt  }
0x4f: {  	_ =	shalt  }
0x50: {  	_ =	shalt  }
0x51: {  	_ =	shalt  }
0x52: {  	_ =	shalt  }
0x53: {  	_ =	shalt  }
0x54: {  	_ =	shalt  }
0x55: {  	_ =	shalt  }
0x56: {  	_ =	shalt  }
0x57: {  	_ =	shalt  }
0x58: {  	_ =	shalt  }
0x59: {  	_ =	shalt  }
0x5a: {  	_ =	shalt  }
0x5b: {  	_ =	shalt  }
0x5c: {  	_ =	shalt  }
0x5d: {  	_ =	shalt  }
0x5e: {  	_ =	shalt  }
0x5f: {  	_ =	shalt  }
0x60: {  	_ =	shalt  }
0x61: {  	_ =	shalt  }
0x62: {  	_ =	shalt  }
0x63: {  	_ =	shalt  }
0x64: {  	_ =	shalt  }
0x65: {  	_ =	shalt  }
0x66: {  	_ =	shalt  }
0x67: {  	_ =	shalt  }
0x68: {  	_ =	shalt  }
0x69: {  	_ =	shalt  }
0x6a: {  	_ =	shalt  }
0x6b: {  	_ =	shalt  }
0x6c: {  	_ =	shalt  }
0x6d: {  	_ =	shalt  }
0x6e: {  	_ =	shalt  }
0x6f: {  	_ =	shalt  }
0x70: {  	_ =	shalt  }
0x71: {  	_ =	shalt  }
0x72: {  	_ =	shalt  }
0x73: {  	_ =	shalt  }
0x74: {  	_ =	shalt  }
0x75: {  	_ =	shalt  }
0x76: {  	_ =	shalt  }
0x77: {  	_ =	shalt  }
0x78: {  	_ =	shalt  }
0x79: {  	_ =	shalt  }
0x7a: {  	_ =	shalt  }
0x7b: {  	_ =	shalt  }
0x7c: {  	_ =	shalt  }
0x7d: {  	_ =	shalt  }
0x7e: {  	_ =	shalt  }
0x7f: {  	_ =	shalt  }
0x80: {  	_ =	shalt  }
0x81: {  	_ =	shalt  }
0x82: {  	_ =	shalt  }
0x83: {  	_ =	shalt  }
0x84: {  	_ =	shalt  }
0x85: {  	_ =	shalt  }
0x86: {  	_ =	shalt  }
0x87: {  	_ =	shalt  }
.Lfunc_end0:
.L_simem_size_0:
called_computation_lowered:
.L_overlay_start_0:
0x88: {  	s2 =	sld [smem:$0x3FD9]  }
0x89: {  	s3 =	sld [smem:$0x3FFE];
	_ =	sdelay $0x1  }
0x8a: {  	s1 =	srdreg.scid  }
0x8b: {  	s0 =	sand.u32 $0x1, s1  }
0x8c: {  	s15 =	sshll.u32 s0, $0xA;
	s2 =	sadd.s32 s3, s2  }
0x8d: {  	s2 =	sadd.s32 s2, s15  }
0x8e: {  	[smem:$0x3FBE] =	sst s2  }
0x8f: {  	_ = 	snop  }
0x90: {  	s2 =	sld [smem:$0x3FD0];
	_ =	sdelay $0x1  }
0x91: {  	s16 =	sld [smem:$0x3FC9]  }
0x92: {  	s5 =	simm.s32 $0xA;
	s6 =	simm.s32 $0x10;
	s4 =	sld [smem:$0x3FC7]  }
0x93: {  	[smem:s6], [sflag:s5] =	dma.local [hbm:s2], $0x1  }
0x94: {  	_ =	swait.eq [sflag:s5], $0x1  }
0x95: {  	[sflag:s5] =	ssyncset.done $0x0  }
0x96: {  	[sflag:s5] =	ssyncadd.s32 $0xFFFFFFFF  }
0x97: {  	s17 =	sld [smem:$0x10];
	(tm) =	ssettm $0x1  }
0x98: {  	s18 =	sld [smem:$0x3FFB];
	_ =	sdelay $0x3  }
0x99: {  	_ =	strace s18  }
0x9a: {  	s5 =	sld [smem:$0x3FFC];
	_ =	sdelay $0x3  }
0x9b: {  	_ =	strace s5  }
0x9c: {  	s5 =	sld [smem:$0x3FFD];
	_ =	sdelay $0x3  }
0x9d: {  	_ =	strace s5  }
0x9e: {  	_ =	strace $0x8FFFFFFF  }
0x9f: {  	s19 =	sld [smem:$0x3FDB];
	_ =	sdelay $0x1  }
0xa0: {  	s20 =	simm.s32 $_scs_section_size  }
0xa1: {  	s7 =	simm.s32 $_size__tile_overlayer_lowered;
	s8 =	simm.s32 $_tile_overlayer_lowered  }
0xa2: {  	s23 =	simm.s32 $0x1BFF;
	s22 =	sshll.u32 s8, $0x1;
	s5 =	sadd.s32 s20, s19  }
0xa3: {  	s9 =	simm.s32 $0x0;
	s21 =	sshll.u32 s7, $0x1;
	s7 =	sadd.s32 s22, s5  }
0xa4: {  	[timem:s9], [sflag:s23] =	dma.local [hbm:s7], s21  }
0xa5: {  	_ =	swait.ge [sflag:s23], s21  }
0xa6: {  	s6 =	ssub.s32 $0x0, s21;
	[sflag:s23] =	ssyncset.done $0x0  }
0xa7: {  	[sflag:s23] =	ssyncadd.s32 s6;
	_ =	sdelay $0x1  }
0xa8: {  	s24 =	simm.s32 $0x1B8B  }
0xa9: {  	_ =	swait.ge [sflag:s24], $0x1  }
0xaa: {  	[sflag:s24] =	ssyncset.done $0x0  }
0xab: {  	s25 =	simm.s32 $0x1B8E;
	[sflag:s24] =	ssyncadd.s32 $0xFFFFFFFF  }
0xac: {  	s26 =	simm.s32 $execute0_lowered;
	[smem:$0x3FD2] =	sst s25  }
0xad: {  	s6 =	sshll.u32 s26, $0x1;
	_ =	strace $0x80000046;
	[dreg:$0x1] =	wrdreg $0xFFFFFFFF  }
0xae: {  	s28 =	simm.s32 $_size_execute0_lowered;
	s5 =	sadd.s32 s5, s6;
	[dreg:$0x0] =	wrdreg $0x0  }
0xaf: {  	s6 =	sshll.u32 s28, $0x1;
	[dreg:$0x2] =	wrdreg s5  }
0xb0: {  	[dreg:$0x3] =	wrdreg s6  }
0xb1: {  	[dreg:$0x4] =	wrdreg $0xC0  }
0xb2: {  	_ =	task [dreg:s9], $0x5FFFF  }
0xb3: {  	[dreg:$0x1] =	wrdreg $0xFFFFFFFF  }
0xb4: {  	[dreg:$0x0] =	wrdreg $0x60  }
0xb5: {  	[dreg:$0x2] =	wrdreg s16  }
0xb6: {  	[dreg:$0x3] =	wrdreg s4  }
0xb7: {  	[dreg:$0x4] =	wrdreg s17  }
0xb8: {  	[dreg:$0x5] =	wrdreg $0x9  }
0xb9: {  	_ =	task.clear_ibuf [dreg:s9], $0x6FFFF;
	_ =	strace $0x90000046  }
0xba: {  	s29 =	simm.s32 $0x9;
	_ =	strace $0x80000048  }
0xbb: {  	_ =	swait.ge [sflag:s29], $0x1  }
0xbc: {  	[sflag:s29] =	ssyncadd.s32 $0xFFFFFFFF  }
0xbd: {  	_ =	strace $0x90000048  }
0xbe: {  	_ =	sfence  }
0xbf: {  	s30 =	sld [smem:$0x0];
	_ =	sdelay $0x2  }
0xc0: {  	s31 =	sshll.u32 s1, $0xD;
	s1 =	sshrl.u32 s1, $0x2  }
0xc1: {  	s3 =	sand.u32 $0x4000, s31;
	s1 =	sadd.s32 s1, s30  }
0xc2: {  	s0 =	sor.u32 s3, s0;
	s1 =	sshll.u32 s1, $0x11  }
0xc3: {  	s0 =	sor.u32 s1, s0  }
0xc4: {  	s0 =	sadd.s32 $0x8F2B, s0  }
0xc5: {  	[sflag:s0] =	ssyncadd.remote.s32 $0x1  }
0xc6: {  	_ =	sfence.sel $0xFFFF  }
0xc7: {  	[dreg:$0x0] =	wrdreg $0xFFFFFFFF;
	(pc) =	sbr.abs _section_cstart, $3  }
0xc8: {  	[dreg:$0x1] =	wrdreg $0xFFFFFFFF  }
0xc9: {  	_ =	task.clear_ibuf [dreg:s9], $0x2FFFF;
	_ =	strace $0x9FFFFFFF  }
0xca: {  	(tm) =	ssettm $0x7FFFFFFF  }
0xcb: {  	_ =	shalt  }
tec
execute0_lowered:
.L_overlay_start_1:
0x0: {  	(tag) =	ssettag $0x1  }
0x1: {  	s1 =	rddreg [dreg:$0x0]  }
0x2: {  	s2 =	srdreg.scid;
	s4 =	rddreg [dreg:$0x1]  }
0x3: {  	s0 =	stileid.u32;
	s8 =	rddreg [dreg:$0x2];
	s6 =	sand.u32 $0x1, s2  }
0x4: {  	s3 =	simm.s32 $0x0;
	s5 =	sshll.u32 s0, $0x8;
	s7 =	sshll.u32 s6, $0x7  }
0x5: {  	[smem:$0x7FF] =	sst s3;
	s9 =	sor.u32 s7, s5  }
0x6: {  	s2 =	rddreg [dreg:$0x3];
	_ =	strace $0x80000047;
	s5 =	sshrl.u32 s9, $0x3  }
0x7: {  	s10 =	ssub.s32 $0x2, s6;
	s5 =	sadd.s32 s4, s5;
	s4 =	simm.s32 $0x2  }
0x8: {  	[tilespmem:s3], [sflag:$0x2] =	stream.linear.gather [hbm4b:s5+s3], $0x80, $0x38;
	[tilespmem:$0x4080] =	vst v63  }
0x9: {  	s11 =	sshrl.u32 s10, $0x1;
	_ =	swait.ge [sflag:s4], $0x80  }
0xa: {  	s6 =	simm.s32 $0x80;
	s10 =	ssub.s32 s10, s11;
	[sflag:s4] =	ssyncset.done $0x0  }
0xb: {  	s7 =	simm.s32 $0x1;
	s31 =	smax.u32 s10, $0x1;
	[sflag:s4] =	ssyncadd.s32 $0xFFFFFF80  }
0xc: {  	[tilespmem:s6], [sflag:$0x1] =	stream.indirect.gather [hbm4b:s1+s6], $0x80, s3, s6, $0xb8;
	[tilespmem:$0x4080] =	vst v63  }
0xd: {  	p0 =	sne.s32 s31, $0x1;
	_ =	swait.ge [sflag:s7], $0x4000  }
.Ltmp0:
0xe: {  	s9 =	sshll.u32 s9, $0x4;
	[sflag:s7] =	ssyncset.done $0x0;
	(pc) =	sbr.rel @!p0 .LBB2_2-.Ltmp0, $4  }
0xf: {  	s8 =	sadd.s32 s8, s9;
	[sflag:s7] =	ssyncadd.s32 $0xFFFFC000  }
0x10: {  	[hbm4b:s8+s3] =	stream.linear.scatter [tilespmem:s6], [sflag:$0x2], $0x4000, $0x38;
	[tilespmem:$0x4080] =	vst v63  }
0x11: {  	_ =	swait.ge [sflag:s4], $0x4000  }
0x12: {  	s9 =	sadd.s32 $0xFFFFFFFF, s31;
	[sflag:s4] =	ssyncset.done $0x0  }
.LBB2_1:
0x13: {  	p0 =	sne.s32 s9, $0x1;
	s9 =	sadd.s32 $0xFFFFFFFF, s9;
	[sflag:s4] =	ssyncadd.s32 $0xFFFFC000  }
0x14: {  	[tilespmem:s3], [sflag:$0x2] =	stream.linear.gather [hbm4b:s5+s3], $0x80, $0x38;
	[tilespmem:$0x4080] =	vst v63  }
0x15: {  	_ =	swait.ge [sflag:s4], $0x80  }
0x16: {  	[sflag:s4] =	ssyncset.done $0x0  }
0x17: {  	[sflag:s4] =	ssyncadd.s32 $0xFFFFFF80  }
0x18: {  	[tilespmem:s6], [sflag:$0x1] =	stream.indirect.gather [hbm4b:s1+s6], $0x80, s3, s6, $0xb8;
	[tilespmem:$0x4080] =	vst v63  }
0x19: {  	_ =	swait.ge [sflag:s7], $0x4000  }
.Ltmp1:
0x1a: {  	[sflag:s7] =	ssyncset.done $0x0;
	(pc) =	sbr.rel @p0 .LBB2_1-.Ltmp1, $4  }
0x1b: {  	[sflag:s7] =	ssyncadd.s32 $0xFFFFC000  }
0x1c: {  	[hbm4b:s8+s3] =	stream.linear.scatter [tilespmem:s6], [sflag:$0x2], $0x4000, $0x38;
	[tilespmem:$0x4080] =	vst v63  }
0x1d: {  	_ =	swait.ge [sflag:s4], $0x4000  }
0x1e: {  	[sflag:s4] =	ssyncset.done $0x0  }
.LBB2_2:
0x1f: {  	[sflag:s4] =	ssyncadd.s32 $0xFFFFC000  }
0x20: {  	_ =	sfence.sel $0x180000  }
0x21: {  	[bflag:$0x0] =	sbarrier.arrive $0xFFFF  }
0x22: {  	p0 =	sne.s32 s0, $0x0;
	_ =	strace $0x90000047  }
0x23: {  	s0 =	sadd.s32 @!p0 $0x100000, s2;
	[bflag:$0x2] =	sbarrier.arrive $0xFFFF  }
0x24: {  	[sflag:s0] =	ssyncadd.tile.s32 @!p0 $0x1;
	_ =	shalt  }
.Lfunc_end2:
_tile_overlayer_lowered:
.L_overlay_start_2:
0x25: {  	(tag) =	ssettag $0x2  }
0x26: {  	s0 =	rddreg [dreg:$0x0];
	s2 =	stileid.u32  }
0x27: {  	s1 =	rddreg [dreg:$0x1];
	p0 =	sne.s32 s2, $0x0  }
0x28: {  	s3 =	rddreg [dreg:$0x2];
	[bflag:$0x3] =	sbarrier.arrive $0xFFFF;
	s2 =	simm.s32 @!p0 $0x1C02  }
0x29: {  	[timem:s3], [sflag:s2] =	dma.local @!p0 [hbm:s0], s1  }
0x2a: {  	s0 =	simm.s32 @!p0 $0x2  }
0x2b: {  	_ =	swait.ge @!p0 [sflag:s0], s1  }
0x2c: {  	s1 =	ssub.s32 @!p0 $0x0, s1;
	[sflag:s0] =	ssyncset.done @!p0 $0x0  }
0x2d: {  	[sflag:s0] =	ssyncadd.s32 @!p0 s1  }
0x2e: {  	[bflag:$0x3] =	sbarrier.arrive $0xFFFF  }
0x2f: {  	_ =	shalt  }

</sc_bundles>
